<compile_context>
chip_gen: v7x
topology: tpu7x:2x2x1
jax: 0.10.2.dev20260603
libtpu: 0.0.44.dev20260713+nightly
codegen_flags: <defaults>
</compile_context>

<pallas_src>
import functools

import jax
import jax.numpy as jnp
from jax import lax
from jax.experimental import pallas as pl
from jax.experimental.pallas import tpu as pltpu
from jax.experimental.pallas import tpu_sc as plsc

_K = 1024
_D = 64
_N = 16384
_BLK = 4096
_GRID = _N // _BLK
_BETA = 0.25


def _tc_body(z_ref, e2_ref, emb_ref, idx_ref, loss_ref, ppl_ref,
             counts_acc, loss_acc):
    i = pl.program_id(0)
    zb = z_ref[...]
    em = emb_ref[...]
    z2 = jnp.sum(zb * zb, axis=1, keepdims=True)
    m = lax.dot_general(zb, em, (((1,), (1,)), ((), ())),
                        preferred_element_type=jnp.float32)
    d = (z2 + e2_ref[...]) - 2.0 * m
    dmin = jnp.min(d, axis=1, keepdims=True)
    lanes = lax.broadcasted_iota(jnp.int32, (_BLK, _K), 1)
    idx = jnp.min(jnp.where(d == dmin, lanes, _K), axis=1, keepdims=True)
    idx_ref[...] = idx

    @pl.when(i == 0)
    def _init():
        counts_acc[...] = jnp.zeros_like(counts_acc)
        loss_acc[...] = jnp.zeros_like(loss_acc)

    oh = (lanes == idx).astype(jnp.float32)
    counts_acc[...] += lax.dot_general(
        jnp.ones((1, _BLK), jnp.float32), oh, (((1,), (0,)), ((), ())),
        preferred_element_type=jnp.float32)
    loss_acc[...] += jnp.sum(dmin, axis=0, keepdims=True)

    @pl.when(i == _GRID - 1)
    def _fin():
        p = counts_acc[...] * (1.0 / _N)
        safe = jnp.where(p > 0, p, 1.0)
        ent = jnp.sum(jnp.where(p > 0, p * jnp.log(safe), 0.0),
                      axis=1, keepdims=True)
        ppl_ref[...] = jnp.exp(-ent)
        loss_ref[...] = ((1.0 + _BETA) / (_N * _D)) * loss_acc[...]


def _tc_quantize(z_flat, e2, emb):
    return pl.pallas_call(
        _tc_body,
        grid=(_GRID,),
        in_specs=[
            pl.BlockSpec((_BLK, _D), lambda i: (i, 0)),
            pl.BlockSpec((1, _K), lambda i: (0, 0)),
            pl.BlockSpec((_K, _D), lambda i: (0, 0)),
        ],
        out_specs=[
            pl.BlockSpec((_BLK, 1), lambda i: (i, 0)),
            pl.BlockSpec((1, 1), lambda i: (0, 0)),
            pl.BlockSpec((1, 1), lambda i: (0, 0)),
        ],
        out_shape=[
            jax.ShapeDtypeStruct((_N, 1), jnp.int32),
            jax.ShapeDtypeStruct((1, 1), jnp.float32),
            jax.ShapeDtypeStruct((1, 1), jnp.float32),
        ],
        scratch_shapes=[
            pltpu.VMEM((1, _K), jnp.float32),
            pltpu.VMEM((1, 1), jnp.float32),
        ],
    )(z_flat, e2, emb)


_NC = 2
_NS = 16
_NW = _NC * _NS
_BPW = _N // _NW
_CH = 128
_NCH = _BPW // _CH
_DP = 128


def _sc_gather(emb128, idx3):
    mesh = plsc.VectorSubcoreMesh(core_axis_name="c", subcore_axis_name="s")

    @functools.partial(
        pl.kernel, mesh=mesh,
        out_type=jax.ShapeDtypeStruct((_N, _DP), jnp.float32),
        scratch_types=[
            pltpu.VMEM((_NCH, _CH), jnp.int32),
            pltpu.VMEM((_BPW, _DP), jnp.float32),
            pltpu.SemaphoreType.DMA,
            pltpu.SemaphoreType.DMA,
        ],
    )
    def k(emb_hbm, idx_hbm, out_hbm, idx_v, rows_v, sem_g, sem_o):
        wid = lax.axis_index("s") * _NC + lax.axis_index("c")
        base = wid * _BPW
        pltpu.sync_copy(idx_hbm.at[wid], idx_v)
        gathers = [
            pltpu.async_copy(emb_hbm.at[idx_v.at[j]],
                             rows_v.at[pl.ds(j * _CH, _CH)], sem_g)
            for j in range(_NCH)
        ]
        outs = []
        for j in range(_NCH):
            gathers[j].wait()
            outs.append(
                pltpu.async_copy(rows_v.at[pl.ds(j * _CH, _CH)],
                                 out_hbm.at[pl.ds(base + j * _CH, _CH)],
                                 sem_o))
        for c in outs:
            c.wait()

    return k(emb128, idx3)


def kernel(z, emb):
    z_t = jnp.moveaxis(z, 1, -1)
    z_flat = z_t.reshape(-1, _D)
    e2 = jnp.sum(emb * emb, axis=1).reshape(1, _K)
    idx2, loss2, ppl2 = _tc_quantize(z_flat, e2, emb)
    idx = idx2[:, 0]
    emb128 = jnp.pad(emb, ((0, 0), (0, _DP - _D)))
    z_q_pad = _sc_gather(emb128, idx.reshape(_NW, _NCH, _CH))
    z_q_out = jnp.moveaxis(z_q_pad[:, :_D].reshape(16, 32, 32, _D), -1, 1)
    return (z_q_out, loss2[0, 0], ppl2[0, 0], z_flat, idx)

# --- scband reference (transcript-rebuilt; emitter-appended) ---
"""Pipeline reference for scband-vector-quantizer-90984587198929 (READ-ONLY COPY).

The authoritative reference and input builder live on the scoring server;
editing this copy changes nothing except your own understanding.
"""

import jax, jax.numpy as jnp
import numpy as np

NUM_EMBEDDINGS = 1024
EMBEDDING_DIM = 64
BETA = 0.25

def setup_inputs(seed: int = 0) -> dict:
    key = jax.random.key(seed)
    k_z, k_e = jax.random.split(key)
    z = jax.random.normal(k_z, (16, 64, 32, 32), dtype=jnp.float32)
    # nn.Embedding weight initialized uniform(-1/K, 1/K)
    emb = jax.random.uniform(k_e, (NUM_EMBEDDINGS, EMBEDDING_DIM), dtype=jnp.float32,
                             minval=-1.0 / NUM_EMBEDDINGS, maxval=1.0 / NUM_EMBEDDINGS)
    return {"z": z, "emb": emb}

def reference(z, emb):
    # z: (B, D, H, W) -> (B, H, W, D)
    z_t = jnp.moveaxis(z, 1, -1)
    z_flat = z_t.reshape(-1, EMBEDDING_DIM)
    # squared euclidean distances to all codebook entries
    distances = (jnp.sum(z_flat ** 2, axis=1, keepdims=True)
                 + jnp.sum(emb ** 2, axis=1)
                 - 2.0 * (z_flat @ emb.T))
    nearest_emb_idcs = jnp.argmin(distances, axis=1)
    z_q = jnp.take(emb, nearest_emb_idcs, axis=0).reshape(z_t.shape)
    commitment_loss = jnp.mean((jax.lax.stop_gradient(z_q) - z_t) ** 2)
    codebook_loss = jnp.mean((z_q - jax.lax.stop_gradient(z_t)) ** 2)
    loss = BETA * commitment_loss + codebook_loss
    # straight-through estimator
    z_q_st = z_t + jax.lax.stop_gradient(z_q - z_t)
    z_q_out = jnp.moveaxis(z_q_st, -1, 1)
    # codebook usage stats (codebook_usage=True path)
    counts = jnp.bincount(nearest_emb_idcs, minlength=NUM_EMBEDDINGS, length=NUM_EMBEDDINGS)
    avg_probs = counts.astype(jnp.float32) / jnp.sum(counts)
    safe = jnp.where(avg_probs > 0, avg_probs, 1.0)
    entropy = jnp.sum(jnp.where(avg_probs > 0, avg_probs * jnp.log(safe), 0.0))
    perplexity = jnp.exp(-entropy)
    return (z_q_out, loss, perplexity, z_flat, nearest_emb_idcs)

if __name__ == "__main__":
    import jax
    _d = setup_inputs()
    print(jax.jit(kernel)(*tuple(_d.values())))

</pallas_src>

<mosaic_0001>
#map = affine_map<(d0, d1) -> (0, 0)>
#map1 = affine_map<(d0, d1) -> (0, 0, 0)>
module attributes {stable_mosaic.version = 14 : i64} {
  func.func @k(%arg0: i32, %arg1: i32, %arg2: memref<1024x128xf32, #tpu.memory_space<hbm>>, %arg3: memref<32x4x128xi32, #tpu.memory_space<hbm>>, %arg4: memref<16384x128xf32, #tpu.memory_space<hbm>>, %arg5: memref<4x128xi32, #tpu.memory_space<vmem>>, %arg6: memref<512x128xf32, #tpu.memory_space<vmem>>, %arg7: memref<!tpu.dma_semaphore, #tpu.memory_space<semaphore_mem>>, %arg8: memref<!tpu.dma_semaphore, #tpu.memory_space<semaphore_mem>>) attributes {dimension_semantics = [#tpu.dimension_semantics<core_parallel>, #tpu.dimension_semantics<subcore_parallel>], iteration_bounds = array<i64: 2, 16>, scalar_prefetch = 0 : i64, scratch_operands = 4 : i64, tpu.core_type = #tpu.core_type<sc_vector_subcore>, window_params = [{transform_indices = #map}, {transform_indices = #map1}, {transform_indices = #map}]} {
    %mul3A = arith.constant 2 : i32
    %mul3A_0 = arith.muli %arg1, %mul3A : i32
    %add3A = arith.addi %mul3A_0, %arg0 : i32
    %mul3A_1 = arith.constant 512 : i32
    %mul3A_2 = arith.muli %add3A, %mul3A_1 : i32
    "tpu.region"() ({
      %run_scoped3A = tpu.sem_alloc : memref<!tpu.dma_semaphore, #tpu.memory_space<semaphore_mem>>
      %dma_start3A_169 = arith.constant 0 : i32
      %dma_start3A_170 = arith.constant 0 : i32
      %dma_start3A_171 = tpu.memref_slice %arg3[%add3A, %dma_start3A_169, %dma_start3A_170] : memref<32x4x128xi32, #tpu.memory_space<hbm>> -> memref<1x4x128xi32, #tpu.memory_space<hbm>>
      %dma_start3A_172 = tpu.memref_squeeze %dma_start3A_171 : memref<1x4x128xi32, #tpu.memory_space<hbm>> -> memref<4x128xi32, #tpu.memory_space<hbm>>
      %dma_start3A_173 = arith.constant 0 : i32
      %dma_start3A_174 = arith.constant 0 : i32
      %dma_start3A_175 = tpu.memref_slice %arg3[%add3A, %dma_start3A_173, %dma_start3A_174] : memref<32x4x128xi32, #tpu.memory_space<hbm>> -> memref<1x4x128xi32, #tpu.memory_space<hbm>>
      %dma_start3A_176 = tpu.memref_squeeze %dma_start3A_175 : memref<1x4x128xi32, #tpu.memory_space<hbm>> -> memref<4x128xi32, #tpu.memory_space<hbm>>
      tpu.enqueue_dma source(%dma_start3A_176 : memref<4x128xi32, #tpu.memory_space<hbm>>) target(%arg5 : memref<4x128xi32, #tpu.memory_space<vmem>>) target_semaphore(%run_scoped3A : memref<!tpu.dma_semaphore, #tpu.memory_space<semaphore_mem>>)
      %dma_wait3A_177 = arith.constant 0 : i32
      %dma_wait3A_178 = arith.constant 0 : i32
      %dma_wait3A_179 = tpu.memref_slice %arg3[%add3A, %dma_wait3A_177, %dma_wait3A_178] : memref<32x4x128xi32, #tpu.memory_space<hbm>> -> memref<1x4x128xi32, #tpu.memory_space<hbm>>
      %dma_wait3A_180 = tpu.memref_squeeze %dma_wait3A_179 : memref<1x4x128xi32, #tpu.memory_space<hbm>> -> memref<4x128xi32, #tpu.memory_space<hbm>>
      %dma_wait3A_181 = arith.constant 0 : i32
      %dma_wait3A_182 = arith.constant 0 : i32
      %dma_wait3A_183 = tpu.memref_slice %arg3[%add3A, %dma_wait3A_181, %dma_wait3A_182] : memref<32x4x128xi32, #tpu.memory_space<hbm>> -> memref<1x4x128xi32, #tpu.memory_space<hbm>>
      %dma_wait3A_184 = tpu.memref_squeeze %dma_wait3A_183 : memref<1x4x128xi32, #tpu.memory_space<hbm>> -> memref<4x128xi32, #tpu.memory_space<hbm>>
      tpu.wait_dma2 semaphore(%run_scoped3A : memref<!tpu.dma_semaphore, #tpu.memory_space<semaphore_mem>>) src(%dma_wait3A_184 : memref<4x128xi32, #tpu.memory_space<hbm>>) dst(%arg5 : memref<4x128xi32, #tpu.memory_space<vmem>>)
      tpu.yield
    }) : () -> ()
    %dma_start3A = arith.constant 0 : i32
    %dma_start3A_3 = arith.constant 0 : i32
    %dma_start3A_4 = arith.constant 0 : i32
    %dma_start3A_5 = tpu.memref_slice %arg6[%dma_start3A_3, %dma_start3A_4] : memref<512x128xf32, #tpu.memory_space<vmem>> -> memref<128x128xf32, #tpu.memory_space<vmem>>
    %dma_start3A_6 = arith.constant 0 : i32
    %dma_start3A_7 = tpu.memref_slice %arg5[%dma_start3A, %dma_start3A_6] : memref<4x128xi32, #tpu.memory_space<vmem>> -> memref<1x128xi32, #tpu.memory_space<vmem>>
    %dma_start3A_8 = tpu.memref_squeeze %dma_start3A_7 : memref<1x128xi32, #tpu.memory_space<vmem>> -> memref<128xi32, #tpu.memory_space<vmem>>
    %dma_start3A_9 = arith.constant 0 : i32
    %dma_start3A_10 = arith.constant 0 : i32
    %dma_start3A_11 = tpu.memref_slice %arg2[%dma_start3A_9, %dma_start3A_10] : memref<1024x128xf32, #tpu.memory_space<hbm>> -> memref<1024x128xf32, #tpu.memory_space<hbm>>
    tpu.enqueue_indirect_dma source(%dma_start3A_11 : memref<1024x128xf32, #tpu.memory_space<hbm>>) target(%dma_start3A_5 : memref<128x128xf32, #tpu.memory_space<vmem>>) offsets(%dma_start3A_8 : memref<128xi32, #tpu.memory_space<vmem>>) semaphore(%arg7 : memref<!tpu.dma_semaphore, #tpu.memory_space<semaphore_mem>>)
    %dma_start3A_12 = arith.constant 1 : i32
    %dma_start3A_13 = arith.constant 128 : i32
    %dma_start3A_14 = arith.constant 0 : i32
    %dma_start3A_15 = tpu.memref_slice %arg6[%dma_start3A_13, %dma_start3A_14] : memref<512x128xf32, #tpu.memory_space<vmem>> -> memref<128x128xf32, #tpu.memory_space<vmem>>
    %dma_start3A_16 = arith.constant 0 : i32
    %dma_start3A_17 = tpu.memref_slice %arg5[%dma_start3A_12, %dma_start3A_16] : memref<4x128xi32, #tpu.memory_space<vmem>> -> memref<1x128xi32, #tpu.memory_space<vmem>>
    %dma_start3A_18 = tpu.memref_squeeze %dma_start3A_17 : memref<1x128xi32, #tpu.memory_space<vmem>> -> memref<128xi32, #tpu.memory_space<vmem>>
    %dma_start3A_19 = arith.constant 0 : i32
    %dma_start3A_20 = arith.constant 0 : i32
    %dma_start3A_21 = tpu.memref_slice %arg2[%dma_start3A_19, %dma_start3A_20] : memref<1024x128xf32, #tpu.memory_space<hbm>> -> memref<1024x128xf32, #tpu.memory_space<hbm>>
    tpu.enqueue_indirect_dma source(%dma_start3A_21 : memref<1024x128xf32, #tpu.memory_space<hbm>>) target(%dma_start3A_15 : memref<128x128xf32, #tpu.memory_space<vmem>>) offsets(%dma_start3A_18 : memref<128xi32, #tpu.memory_space<vmem>>) semaphore(%arg7 : memref<!tpu.dma_semaphore, #tpu.memory_space<semaphore_mem>>)
    %dma_start3A_22 = arith.constant 2 : i32
    %dma_start3A_23 = arith.constant 256 : i32
    %dma_start3A_24 = arith.constant 0 : i32
    %dma_start3A_25 = tpu.memref_slice %arg6[%dma_start3A_23, %dma_start3A_24] : memref<512x128xf32, #tpu.memory_space<vmem>> -> memref<128x128xf32, #tpu.memory_space<vmem>>
    %dma_start3A_26 = arith.constant 0 : i32
    %dma_start3A_27 = tpu.memref_slice %arg5[%dma_start3A_22, %dma_start3A_26] : memref<4x128xi32, #tpu.memory_space<vmem>> -> memref<1x128xi32, #tpu.memory_space<vmem>>
    %dma_start3A_28 = tpu.memref_squeeze %dma_start3A_27 : memref<1x128xi32, #tpu.memory_space<vmem>> -> memref<128xi32, #tpu.memory_space<vmem>>
    %dma_start3A_29 = arith.constant 0 : i32
    %dma_start3A_30 = arith.constant 0 : i32
    %dma_start3A_31 = tpu.memref_slice %arg2[%dma_start3A_29, %dma_start3A_30] : memref<1024x128xf32, #tpu.memory_space<hbm>> -> memref<1024x128xf32, #tpu.memory_space<hbm>>
    tpu.enqueue_indirect_dma source(%dma_start3A_31 : memref<1024x128xf32, #tpu.memory_space<hbm>>) target(%dma_start3A_25 : memref<128x128xf32, #tpu.memory_space<vmem>>) offsets(%dma_start3A_28 : memref<128xi32, #tpu.memory_space<vmem>>) semaphore(%arg7 : memref<!tpu.dma_semaphore, #tpu.memory_space<semaphore_mem>>)
    %dma_start3A_32 = arith.constant 3 : i32
    %dma_start3A_33 = arith.constant 384 : i32
    %dma_start3A_34 = arith.constant 0 : i32
    %dma_start3A_35 = tpu.memref_slice %arg6[%dma_start3A_33, %dma_start3A_34] : memref<512x128xf32, #tpu.memory_space<vmem>> -> memref<128x128xf32, #tpu.memory_space<vmem>>
    %dma_start3A_36 = arith.constant 0 : i32
    %dma_start3A_37 = tpu.memref_slice %arg5[%dma_start3A_32, %dma_start3A_36] : memref<4x128xi32, #tpu.memory_space<vmem>> -> memref<1x128xi32, #tpu.memory_space<vmem>>
    %dma_start3A_38 = tpu.memref_squeeze %dma_start3A_37 : memref<1x128xi32, #tpu.memory_space<vmem>> -> memref<128xi32, #tpu.memory_space<vmem>>
    %dma_start3A_39 = arith.constant 0 : i32
    %dma_start3A_40 = arith.constant 0 : i32
    %dma_start3A_41 = tpu.memref_slice %arg2[%dma_start3A_39, %dma_start3A_40] : memref<1024x128xf32, #tpu.memory_space<hbm>> -> memref<1024x128xf32, #tpu.memory_space<hbm>>
    tpu.enqueue_indirect_dma source(%dma_start3A_41 : memref<1024x128xf32, #tpu.memory_space<hbm>>) target(%dma_start3A_35 : memref<128x128xf32, #tpu.memory_space<vmem>>) offsets(%dma_start3A_38 : memref<128xi32, #tpu.memory_space<vmem>>) semaphore(%arg7 : memref<!tpu.dma_semaphore, #tpu.memory_space<semaphore_mem>>)
    %dma_wait3A = arith.constant 0 : i32
    %dma_wait3A_42 = arith.constant 0 : i32
    %dma_wait3A_43 = arith.constant 0 : i32
    %dma_wait3A_44 = tpu.memref_slice %arg6[%dma_wait3A_42, %dma_wait3A_43] : memref<512x128xf32, #tpu.memory_space<vmem>> -> memref<128x128xf32, #tpu.memory_space<vmem>>
    %dma_wait3A_45 = arith.constant 0 : i32
    %dma_wait3A_46 = tpu.memref_slice %arg5[%dma_wait3A, %dma_wait3A_45] : memref<4x128xi32, #tpu.memory_space<vmem>> -> memref<1x128xi32, #tpu.memory_space<vmem>>
    %dma_wait3A_47 = tpu.memref_squeeze %dma_wait3A_46 : memref<1x128xi32, #tpu.memory_space<vmem>> -> memref<128xi32, #tpu.memory_space<vmem>>
    %dma_wait3A_48 = arith.constant 0 : i32
    %dma_wait3A_49 = arith.constant 0 : i32
    %dma_wait3A_50 = tpu.memref_slice %arg2[%dma_wait3A_48, %dma_wait3A_49] : memref<1024x128xf32, #tpu.memory_space<hbm>> -> memref<1024x128xf32, #tpu.memory_space<hbm>>
    tpu.wait_indirect_dma semaphore(%arg7 : memref<!tpu.dma_semaphore, #tpu.memory_space<semaphore_mem>>) src(%dma_wait3A_50 : memref<1024x128xf32, #tpu.memory_space<hbm>>) dst(%dma_wait3A_44 : memref<128x128xf32, #tpu.memory_space<vmem>>)
    %add3A_51 = arith.constant 0 : i32
    %add3A_52 = arith.addi %mul3A_2, %add3A_51 : i32
    %dma_start3A_53 = arith.constant 0 : i32
    %dma_start3A_54 = arith.constant 0 : i32
    %dma_start3A_55 = tpu.memref_slice %arg6[%dma_start3A_53, %dma_start3A_54] : memref<512x128xf32, #tpu.memory_space<vmem>> -> memref<128x128xf32, #tpu.memory_space<vmem>>
    %dma_start3A_56 = arith.constant 0 : i32
    %dma_start3A_57 = tpu.memref_slice %arg4[%add3A_52, %dma_start3A_56] : memref<16384x128xf32, #tpu.memory_space<hbm>> -> memref<128x128xf32, #tpu.memory_space<hbm>>
    %dma_start3A_58 = arith.constant 0 : i32
    %dma_start3A_59 = tpu.memref_slice %arg4[%add3A_52, %dma_start3A_58] : memref<16384x128xf32, #tpu.memory_space<hbm>> -> memref<128x128xf32, #tpu.memory_space<hbm>>
    %dma_start3A_60 = arith.constant 0 : i32
    %dma_start3A_61 = arith.constant 0 : i32
    %dma_start3A_62 = tpu.memref_slice %arg6[%dma_start3A_60, %dma_start3A_61] : memref<512x128xf32, #tpu.memory_space<vmem>> -> memref<128x128xf32, #tpu.memory_space<vmem>>
    tpu.enqueue_dma source(%dma_start3A_62 : memref<128x128xf32, #tpu.memory_space<vmem>>) target(%dma_start3A_59 : memref<128x128xf32, #tpu.memory_space<hbm>>) target_semaphore(%arg8 : memref<!tpu.dma_semaphore, #tpu.memory_space<semaphore_mem>>)
    %dma_wait3A_63 = arith.constant 1 : i32
    %dma_wait3A_64 = arith.constant 128 : i32
    %dma_wait3A_65 = arith.constant 0 : i32
    %dma_wait3A_66 = tpu.memref_slice %arg6[%dma_wait3A_64, %dma_wait3A_65] : memref<512x128xf32, #tpu.memory_space<vmem>> -> memref<128x128xf32, #tpu.memory_space<vmem>>
    %dma_wait3A_67 = arith.constant 0 : i32
    %dma_wait3A_68 = tpu.memref_slice %arg5[%dma_wait3A_63, %dma_wait3A_67] : memref<4x128xi32, #tpu.memory_space<vmem>> -> memref<1x128xi32, #tpu.memory_space<vmem>>
    %dma_wait3A_69 = tpu.memref_squeeze %dma_wait3A_68 : memref<1x128xi32, #tpu.memory_space<vmem>> -> memref<128xi32, #tpu.memory_space<vmem>>
    %dma_wait3A_70 = arith.constant 0 : i32
    %dma_wait3A_71 = arith.constant 0 : i32
    %dma_wait3A_72 = tpu.memref_slice %arg2[%dma_wait3A_70, %dma_wait3A_71] : memref<1024x128xf32, #tpu.memory_space<hbm>> -> memref<1024x128xf32, #tpu.memory_space<hbm>>
    tpu.wait_indirect_dma semaphore(%arg7 : memref<!tpu.dma_semaphore, #tpu.memory_space<semaphore_mem>>) src(%dma_wait3A_72 : memref<1024x128xf32, #tpu.memory_space<hbm>>) dst(%dma_wait3A_66 : memref<128x128xf32, #tpu.memory_space<vmem>>)
    %add3A_73 = arith.constant 128 : i32
    %add3A_74 = arith.addi %mul3A_2, %add3A_73 : i32
    %dma_start3A_75 = arith.constant 128 : i32
    %dma_start3A_76 = arith.constant 0 : i32
    %dma_start3A_77 = tpu.memref_slice %arg6[%dma_start3A_75, %dma_start3A_76] : memref<512x128xf32, #tpu.memory_space<vmem>> -> memref<128x128xf32, #tpu.memory_space<vmem>>
    %dma_start3A_78 = arith.constant 0 : i32
    %dma_start3A_79 = tpu.memref_slice %arg4[%add3A_74, %dma_start3A_78] : memref<16384x128xf32, #tpu.memory_space<hbm>> -> memref<128x128xf32, #tpu.memory_space<hbm>>
    %dma_start3A_80 = arith.constant 0 : i32
    %dma_start3A_81 = tpu.memref_slice %arg4[%add3A_74, %dma_start3A_80] : memref<16384x128xf32, #tpu.memory_space<hbm>> -> memref<128x128xf32, #tpu.memory_space<hbm>>
    %dma_start3A_82 = arith.constant 128 : i32
    %dma_start3A_83 = arith.constant 0 : i32
    %dma_start3A_84 = tpu.memref_slice %arg6[%dma_start3A_82, %dma_start3A_83] : memref<512x128xf32, #tpu.memory_space<vmem>> -> memref<128x128xf32, #tpu.memory_space<vmem>>
    tpu.enqueue_dma source(%dma_start3A_84 : memref<128x128xf32, #tpu.memory_space<vmem>>) target(%dma_start3A_81 : memref<128x128xf32, #tpu.memory_space<hbm>>) target_semaphore(%arg8 : memref<!tpu.dma_semaphore, #tpu.memory_space<semaphore_mem>>)
    %dma_wait3A_85 = arith.constant 2 : i32
    %dma_wait3A_86 = arith.constant 256 : i32
    %dma_wait3A_87 = arith.constant 0 : i32
    %dma_wait3A_88 = tpu.memref_slice %arg6[%dma_wait3A_86, %dma_wait3A_87] : memref<512x128xf32, #tpu.memory_space<vmem>> -> memref<128x128xf32, #tpu.memory_space<vmem>>
    %dma_wait3A_89 = arith.constant 0 : i32
    %dma_wait3A_90 = tpu.memref_slice %arg5[%dma_wait3A_85, %dma_wait3A_89] : memref<4x128xi32, #tpu.memory_space<vmem>> -> memref<1x128xi32, #tpu.memory_space<vmem>>
    %dma_wait3A_91 = tpu.memref_squeeze %dma_wait3A_90 : memref<1x128xi32, #tpu.memory_space<vmem>> -> memref<128xi32, #tpu.memory_space<vmem>>
    %dma_wait3A_92 = arith.constant 0 : i32
    %dma_wait3A_93 = arith.constant 0 : i32
    %dma_wait3A_94 = tpu.memref_slice %arg2[%dma_wait3A_92, %dma_wait3A_93] : memref<1024x128xf32, #tpu.memory_space<hbm>> -> memref<1024x128xf32, #tpu.memory_space<hbm>>
    tpu.wait_indirect_dma semaphore(%arg7 : memref<!tpu.dma_semaphore, #tpu.memory_space<semaphore_mem>>) src(%dma_wait3A_94 : memref<1024x128xf32, #tpu.memory_space<hbm>>) dst(%dma_wait3A_88 : memref<128x128xf32, #tpu.memory_space<vmem>>)
    %add3A_95 = arith.constant 256 : i32
    %add3A_96 = arith.addi %mul3A_2, %add3A_95 : i32
    %dma_start3A_97 = arith.constant 256 : i32
    %dma_start3A_98 = arith.constant 0 : i32
    %dma_start3A_99 = tpu.memref_slice %arg6[%dma_start3A_97, %dma_start3A_98] : memref<512x128xf32, #tpu.memory_space<vmem>> -> memref<128x128xf32, #tpu.memory_space<vmem>>
    %dma_start3A_100 = arith.constant 0 : i32
    %dma_start3A_101 = tpu.memref_slice %arg4[%add3A_96, %dma_start3A_100] : memref<16384x128xf32, #tpu.memory_space<hbm>> -> memref<128x128xf32, #tpu.memory_space<hbm>>
    %dma_start3A_102 = arith.constant 0 : i32
    %dma_start3A_103 = tpu.memref_slice %arg4[%add3A_96, %dma_start3A_102] : memref<16384x128xf32, #tpu.memory_space<hbm>> -> memref<128x128xf32, #tpu.memory_space<hbm>>
    %dma_start3A_104 = arith.constant 256 : i32
    %dma_start3A_105 = arith.constant 0 : i32
    %dma_start3A_106 = tpu.memref_slice %arg6[%dma_start3A_104, %dma_start3A_105] : memref<512x128xf32, #tpu.memory_space<vmem>> -> memref<128x128xf32, #tpu.memory_space<vmem>>
    tpu.enqueue_dma source(%dma_start3A_106 : memref<128x128xf32, #tpu.memory_space<vmem>>) target(%dma_start3A_103 : memref<128x128xf32, #tpu.memory_space<hbm>>) target_semaphore(%arg8 : memref<!tpu.dma_semaphore, #tpu.memory_space<semaphore_mem>>)
    %dma_wait3A_107 = arith.constant 3 : i32
    %dma_wait3A_108 = arith.constant 384 : i32
    %dma_wait3A_109 = arith.constant 0 : i32
    %dma_wait3A_110 = tpu.memref_slice %arg6[%dma_wait3A_108, %dma_wait3A_109] : memref<512x128xf32, #tpu.memory_space<vmem>> -> memref<128x128xf32, #tpu.memory_space<vmem>>
    %dma_wait3A_111 = arith.constant 0 : i32
    %dma_wait3A_112 = tpu.memref_slice %arg5[%dma_wait3A_107, %dma_wait3A_111] : memref<4x128xi32, #tpu.memory_space<vmem>> -> memref<1x128xi32, #tpu.memory_space<vmem>>
    %dma_wait3A_113 = tpu.memref_squeeze %dma_wait3A_112 : memref<1x128xi32, #tpu.memory_space<vmem>> -> memref<128xi32, #tpu.memory_space<vmem>>
    %dma_wait3A_114 = arith.constant 0 : i32
    %dma_wait3A_115 = arith.constant 0 : i32
    %dma_wait3A_116 = tpu.memref_slice %arg2[%dma_wait3A_114, %dma_wait3A_115] : memref<1024x128xf32, #tpu.memory_space<hbm>> -> memref<1024x128xf32, #tpu.memory_space<hbm>>
    tpu.wait_indirect_dma semaphore(%arg7 : memref<!tpu.dma_semaphore, #tpu.memory_space<semaphore_mem>>) src(%dma_wait3A_116 : memref<1024x128xf32, #tpu.memory_space<hbm>>) dst(%dma_wait3A_110 : memref<128x128xf32, #tpu.memory_space<vmem>>)
    %add3A_117 = arith.constant 384 : i32
    %add3A_118 = arith.addi %mul3A_2, %add3A_117 : i32
    %dma_start3A_119 = arith.constant 384 : i32
    %dma_start3A_120 = arith.constant 0 : i32
    %dma_start3A_121 = tpu.memref_slice %arg6[%dma_start3A_119, %dma_start3A_120] : memref<512x128xf32, #tpu.memory_space<vmem>> -> memref<128x128xf32, #tpu.memory_space<vmem>>
    %dma_start3A_122 = arith.constant 0 : i32
    %dma_start3A_123 = tpu.memref_slice %arg4[%add3A_118, %dma_start3A_122] : memref<16384x128xf32, #tpu.memory_space<hbm>> -> memref<128x128xf32, #tpu.memory_space<hbm>>
    %dma_start3A_124 = arith.constant 0 : i32
    %dma_start3A_125 = tpu.memref_slice %arg4[%add3A_118, %dma_start3A_124] : memref<16384x128xf32, #tpu.memory_space<hbm>> -> memref<128x128xf32, #tpu.memory_space<hbm>>
    %dma_start3A_126 = arith.constant 384 : i32
    %dma_start3A_127 = arith.constant 0 : i32
    %dma_start3A_128 = tpu.memref_slice %arg6[%dma_start3A_126, %dma_start3A_127] : memref<512x128xf32, #tpu.memory_space<vmem>> -> memref<128x128xf32, #tpu.memory_space<vmem>>
    tpu.enqueue_dma source(%dma_start3A_128 : memref<128x128xf32, #tpu.memory_space<vmem>>) target(%dma_start3A_125 : memref<128x128xf32, #tpu.memory_space<hbm>>) target_semaphore(%arg8 : memref<!tpu.dma_semaphore, #tpu.memory_space<semaphore_mem>>)
    %dma_wait3A_129 = arith.constant 0 : i32
    %dma_wait3A_130 = arith.constant 0 : i32
    %dma_wait3A_131 = tpu.memref_slice %arg6[%dma_wait3A_129, %dma_wait3A_130] : memref<512x128xf32, #tpu.memory_space<vmem>> -> memref<128x128xf32, #tpu.memory_space<vmem>>
    %dma_wait3A_132 = arith.constant 0 : i32
    %dma_wait3A_133 = tpu.memref_slice %arg4[%add3A_52, %dma_wait3A_132] : memref<16384x128xf32, #tpu.memory_space<hbm>> -> memref<128x128xf32, #tpu.memory_space<hbm>>
    %dma_wait3A_134 = arith.constant 0 : i32
    %dma_wait3A_135 = tpu.memref_slice %arg4[%add3A_52, %dma_wait3A_134] : memref<16384x128xf32, #tpu.memory_space<hbm>> -> memref<128x128xf32, #tpu.memory_space<hbm>>
    %dma_wait3A_136 = arith.constant 0 : i32
    %dma_wait3A_137 = arith.constant 0 : i32
    %dma_wait3A_138 = tpu.memref_slice %arg6[%dma_wait3A_136, %dma_wait3A_137] : memref<512x128xf32, #tpu.memory_space<vmem>> -> memref<128x128xf32, #tpu.memory_space<vmem>>
    tpu.wait_dma2 semaphore(%arg8 : memref<!tpu.dma_semaphore, #tpu.memory_space<semaphore_mem>>) src(%dma_wait3A_138 : memref<128x128xf32, #tpu.memory_space<vmem>>) dst(%dma_wait3A_135 : memref<128x128xf32, #tpu.memory_space<hbm>>)
    %dma_wait3A_139 = arith.constant 128 : i32
    %dma_wait3A_140 = arith.constant 0 : i32
    %dma_wait3A_141 = tpu.memref_slice %arg6[%dma_wait3A_139, %dma_wait3A_140] : memref<512x128xf32, #tpu.memory_space<vmem>> -> memref<128x128xf32, #tpu.memory_space<vmem>>
    %dma_wait3A_142 = arith.constant 0 : i32
    %dma_wait3A_143 = tpu.memref_slice %arg4[%add3A_74, %dma_wait3A_142] : memref<16384x128xf32, #tpu.memory_space<hbm>> -> memref<128x128xf32, #tpu.memory_space<hbm>>
    %dma_wait3A_144 = arith.constant 0 : i32
    %dma_wait3A_145 = tpu.memref_slice %arg4[%add3A_74, %dma_wait3A_144] : memref<16384x128xf32, #tpu.memory_space<hbm>> -> memref<128x128xf32, #tpu.memory_space<hbm>>
    %dma_wait3A_146 = arith.constant 128 : i32
    %dma_wait3A_147 = arith.constant 0 : i32
    %dma_wait3A_148 = tpu.memref_slice %arg6[%dma_wait3A_146, %dma_wait3A_147] : memref<512x128xf32, #tpu.memory_space<vmem>> -> memref<128x128xf32, #tpu.memory_space<vmem>>
    tpu.wait_dma2 semaphore(%arg8 : memref<!tpu.dma_semaphore, #tpu.memory_space<semaphore_mem>>) src(%dma_wait3A_148 : memref<128x128xf32, #tpu.memory_space<vmem>>) dst(%dma_wait3A_145 : memref<128x128xf32, #tpu.memory_space<hbm>>)
    %dma_wait3A_149 = arith.constant 256 : i32
    %dma_wait3A_150 = arith.constant 0 : i32
    %dma_wait3A_151 = tpu.memref_slice %arg6[%dma_wait3A_149, %dma_wait3A_150] : memref<512x128xf32, #tpu.memory_space<vmem>> -> memref<128x128xf32, #tpu.memory_space<vmem>>
    %dma_wait3A_152 = arith.constant 0 : i32
    %dma_wait3A_153 = tpu.memref_slice %arg4[%add3A_96, %dma_wait3A_152] : memref<16384x128xf32, #tpu.memory_space<hbm>> -> memref<128x128xf32, #tpu.memory_space<hbm>>
    %dma_wait3A_154 = arith.constant 0 : i32
    %dma_wait3A_155 = tpu.memref_slice %arg4[%add3A_96, %dma_wait3A_154] : memref<16384x128xf32, #tpu.memory_space<hbm>> -> memref<128x128xf32, #tpu.memory_space<hbm>>
    %dma_wait3A_156 = arith.constant 256 : i32
    %dma_wait3A_157 = arith.constant 0 : i32
    %dma_wait3A_158 = tpu.memref_slice %arg6[%dma_wait3A_156, %dma_wait3A_157] : memref<512x128xf32, #tpu.memory_space<vmem>> -> memref<128x128xf32, #tpu.memory_space<vmem>>
    tpu.wait_dma2 semaphore(%arg8 : memref<!tpu.dma_semaphore, #tpu.memory_space<semaphore_mem>>) src(%dma_wait3A_158 : memref<128x128xf32, #tpu.memory_space<vmem>>) dst(%dma_wait3A_155 : memref<128x128xf32, #tpu.memory_space<hbm>>)
    %dma_wait3A_159 = arith.constant 384 : i32
    %dma_wait3A_160 = arith.constant 0 : i32
    %dma_wait3A_161 = tpu.memref_slice %arg6[%dma_wait3A_159, %dma_wait3A_160] : memref<512x128xf32, #tpu.memory_space<vmem>> -> memref<128x128xf32, #tpu.memory_space<vmem>>
    %dma_wait3A_162 = arith.constant 0 : i32
    %dma_wait3A_163 = tpu.memref_slice %arg4[%add3A_118, %dma_wait3A_162] : memref<16384x128xf32, #tpu.memory_space<hbm>> -> memref<128x128xf32, #tpu.memory_space<hbm>>
    %dma_wait3A_164 = arith.constant 0 : i32
    %dma_wait3A_165 = tpu.memref_slice %arg4[%add3A_118, %dma_wait3A_164] : memref<16384x128xf32, #tpu.memory_space<hbm>> -> memref<128x128xf32, #tpu.memory_space<hbm>>
    %dma_wait3A_166 = arith.constant 384 : i32
    %dma_wait3A_167 = arith.constant 0 : i32
    %dma_wait3A_168 = tpu.memref_slice %arg6[%dma_wait3A_166, %dma_wait3A_167] : memref<512x128xf32, #tpu.memory_space<vmem>> -> memref<128x128xf32, #tpu.memory_space<vmem>>
    tpu.wait_dma2 semaphore(%arg8 : memref<!tpu.dma_semaphore, #tpu.memory_space<semaphore_mem>>) src(%dma_wait3A_168 : memref<128x128xf32, #tpu.memory_space<vmem>>) dst(%dma_wait3A_165 : memref<128x128xf32, #tpu.memory_space<hbm>>)
    return
  }
}

module attributes {stable_mosaic.version = 14 : i64} {
  func.func @_tc_body(%arg0: i32, %arg1: memref<4096x64xf32, #tpu.memory_space<vmem>>, %arg2: memref<1x1024xf32, #tpu.memory_space<vmem>>, %arg3: memref<1024x64xf32, #tpu.memory_space<vmem>>, %arg4: memref<4096x1xi32, #tpu.memory_space<vmem>>, %arg5: memref<1x1xf32, #tpu.memory_space<vmem>>, %arg6: memref<1x1xf32, #tpu.memory_space<vmem>>, %arg7: memref<1x1024xf32, #tpu.memory_space<vmem>>, %arg8: memref<1x1xf32, #tpu.memory_space<vmem>>) attributes {dimension_semantics = [#tpu.dimension_semantics<arbitrary>], iteration_bounds = array<i64: 4>, scalar_prefetch = 0 : i64, scratch_operands = 2 : i64, tpu.core_type = #tpu.core_type<tc>, window_params = [{transform_indices = @transform_0, window_bounds = array<i64: 4096, 64>}, {pipeline_mode = #tpu.pipeline_mode<synchronous>, transform_indices = @transform_1, window_bounds = array<i64: 1, 1024>}, {pipeline_mode = #tpu.pipeline_mode<synchronous>, transform_indices = @transform_2, window_bounds = array<i64: 1024, 64>}, {transform_indices = @transform_3, window_bounds = array<i64: 4096, 1>}, {pipeline_mode = #tpu.pipeline_mode<synchronous>, transform_indices = @transform_4, window_bounds = array<i64: 1, 1>}, {pipeline_mode = #tpu.pipeline_mode<synchronous>, transform_indices = @transform_5, window_bounds = array<i64: 1, 1>}]} {
    %get3A = arith.constant 0 : index
    %get3A_0 = arith.constant 0 : index
    %get3A_1 = vector.load %arg1[%get3A, %get3A_0] : memref<4096x64xf32, #tpu.memory_space<vmem>>, vector<4096x64xf32>
    %get3A_2 = arith.constant 0 : index
    %get3A_3 = arith.constant 0 : index
    %get3A_4 = vector.load %arg3[%get3A_2, %get3A_3] : memref<1024x64xf32, #tpu.memory_space<vmem>>, vector<1024x64xf32>
    %mul3A = arith.mulf %get3A_1, %get3A_1 : vector<4096x64xf32>
    %reduce_sum3A = arith.constant dense<0.000000e+00> : vector<4096xf32>
    %reduce_sum3A_5 = vector.multi_reduction <add>, %mul3A, %reduce_sum3A [1] : vector<4096x64xf32> to vector<4096xf32>
    %broadcast_in_dim3A = vector.shape_cast %reduce_sum3A_5 : vector<4096xf32> to vector<4096x1xf32>
    %dot_general3A = arith.constant dense<0.000000e+00> : vector<4096x1024xf32>
    %dot_general3A_6 = tpu.matmul %get3A_1, %get3A_4, %dot_general3A {dimension_numbers = #tpu.dot_dimension_numbers<[1], [1], [0], [0], [0, 0, 1, 0], [], []>, transpose_lhs_hint = false} : vector<4096x64xf32>, vector<1024x64xf32>, vector<4096x1024xf32> -> vector<4096x1024xf32>
    %get3A_7 = arith.constant 0 : index
    %get3A_8 = arith.constant 0 : index
    %get3A_9 = vector.load %arg2[%get3A_7, %get3A_8] : memref<1x1024xf32, #tpu.memory_space<vmem>>, vector<1x1024xf32>
    %add3A = vector.broadcast %broadcast_in_dim3A : vector<4096x1xf32> to vector<4096x1024xf32>
    %add3A_10 = vector.broadcast %get3A_9 : vector<1x1024xf32> to vector<4096x1024xf32>
    %add3A_11 = arith.addf %add3A, %add3A_10 : vector<4096x1024xf32>
    %mul3A_12 = arith.constant 2.000000e+00 : f32
    %mul3A_13 = vector.broadcast %mul3A_12 : f32 to vector<4096x1024xf32>
    %mul3A_14 = arith.mulf %mul3A_13, %dot_general3A_6 : vector<4096x1024xf32>
    %sub3A = arith.subf %add3A_11, %mul3A_14 : vector<4096x1024xf32>
    %reduce_min3A = arith.constant dense<0x7F800000> : vector<4096xf32>
    %reduce_min3A_15 = vector.multi_reduction <minimumf>, %sub3A, %reduce_min3A [1] : vector<4096x1024xf32> to vector<4096xf32>
    %broadcast_in_dim3A_16 = vector.shape_cast %reduce_min3A_15 : vector<4096xf32> to vector<4096x1xf32>
    %iota3A = tpu.iota {dimensions = array<i32: 1>} : vector<4096x1024xi32>
    %eq3A = vector.broadcast %broadcast_in_dim3A_16 : vector<4096x1xf32> to vector<4096x1024xf32>
    %eq3A_17 = arith.cmpf oeq, %sub3A, %eq3A : vector<4096x1024xf32>
    %jit3A = arith.constant 1024 : i32
    %broadcast_in_dim3A_18 = vector.broadcast %jit3A : i32 to vector<4096x1024xi32>
    %select_n3A = arith.select %eq3A_17, %iota3A, %broadcast_in_dim3A_18 : vector<4096x1024xi1>, vector<4096x1024xi32>
    %reduce_min3A_19 = arith.constant dense<2147483647> : vector<4096xi32>
    %reduce_min3A_20 = vector.multi_reduction <minsi>, %select_n3A, %reduce_min3A_19 [1] : vector<4096x1024xi32> to vector<4096xi32>
    %broadcast_in_dim3A_21 = vector.shape_cast %reduce_min3A_20 : vector<4096xi32> to vector<4096x1xi32>
    %swap3A = arith.constant 0 : index
    %swap3A_22 = arith.constant 0 : index
    %swap3A_23 = vector.load %arg4[%swap3A, %swap3A_22] : memref<4096x1xi32, #tpu.memory_space<vmem>>, vector<4096x1xi32>
    tpu.vector_store %arg4[%swap3A, %swap3A_22], %broadcast_in_dim3A_21 {strides = array<i32>} : memref<4096x1xi32, #tpu.memory_space<vmem>>, vector<4096x1xi32>,
    %eq3A_24 = arith.constant 0 : i32
    %eq3A_25 = arith.cmpi eq, %arg0, %eq3A_24 : i32
    %convert_element_type3A = arith.extui %eq3A_25 : i1 to i32
    %cond3A = arith.constant 0 : i32
    %cond3A_26 = arith.cmpi ne, %convert_element_type3A, %cond3A : i32
    scf.if %cond3A_26 {
      %broadcast_in_dim3A_57 = arith.constant 0.000000e+00 : f32
      %broadcast_in_dim3A_58 = vector.broadcast %broadcast_in_dim3A_57 : f32 to vector<1x1024xf32>
      %swap3A_59 = arith.constant 0 : index
      %swap3A_60 = arith.constant 0 : index
      %swap3A_61 = vector.load %arg7[%swap3A_59, %swap3A_60] : memref<1x1024xf32, #tpu.memory_space<vmem>>, vector<1x1024xf32>
      tpu.vector_store %arg7[%swap3A_59, %swap3A_60], %broadcast_in_dim3A_58 {strides = array<i32>} : memref<1x1024xf32, #tpu.memory_space<vmem>>, vector<1x1024xf32>,
      %broadcast_in_dim3A_62 = arith.constant 0.000000e+00 : f32
      %broadcast_in_dim3A_63 = vector.broadcast %broadcast_in_dim3A_62 : f32 to vector<1x1xf32>
      %swap3A_64 = arith.constant 0 : index
      %swap3A_65 = arith.constant 0 : index
      %swap3A_66 = vector.load %arg8[%swap3A_64, %swap3A_65] : memref<1x1xf32, #tpu.memory_space<vmem>>, vector<1x1xf32>
      tpu.vector_store %arg8[%swap3A_64, %swap3A_65], %broadcast_in_dim3A_63 {strides = array<i32>} : memref<1x1xf32, #tpu.memory_space<vmem>>, vector<1x1xf32>,
    } else {
    }
    %eq3A_27 = vector.broadcast %broadcast_in_dim3A_21 : vector<4096x1xi32> to vector<4096x1024xi32>
    %eq3A_28 = arith.cmpi eq, %iota3A, %eq3A_27 : vector<4096x1024xi32>
    %convert_element_type3A_29 = arith.extui %eq3A_28 : vector<4096x1024xi1> to vector<4096x1024xi32>
    %convert_element_type3A_30 = arith.sitofp %convert_element_type3A_29 : vector<4096x1024xi32> to vector<4096x1024xf32>
    %get3A_31 = arith.constant 0 : index
    %get3A_32 = arith.constant 0 : index
    %get3A_33 = vector.load %arg7[%get3A_31, %get3A_32] : memref<1x1024xf32, #tpu.memory_space<vmem>>, vector<1x1024xf32>
    %broadcast_in_dim3A_34 = arith.constant 1.000000e+00 : f32
    %broadcast_in_dim3A_35 = vector.broadcast %broadcast_in_dim3A_34 : f32 to vector<1x4096xf32>
    %dot_general3A_36 = arith.constant dense<0.000000e+00> : vector<1x1024xf32>
    %dot_general3A_37 = tpu.matmul %broadcast_in_dim3A_35, %convert_element_type3A_30, %dot_general3A_36 {dimension_numbers = #tpu.dot_dimension_numbers<[1], [0], [0], [1], [0, 0, 1, 1], [], []>, transpose_lhs_hint = false} : vector<1x4096xf32>, vector<4096x1024xf32>, vector<1x1024xf32> -> vector<1x1024xf32>
    %add3A_38 = arith.addf %get3A_33, %dot_general3A_37 : vector<1x1024xf32>
    %swap3A_39 = arith.constant 0 : index
    %swap3A_40 = arith.constant 0 : index
    %swap3A_41 = vector.load %arg7[%swap3A_39, %swap3A_40] : memref<1x1024xf32, #tpu.memory_space<vmem>>, vector<1x1024xf32>
    tpu.vector_store %arg7[%swap3A_39, %swap3A_40], %add3A_38 {strides = array<i32>} : memref<1x1024xf32, #tpu.memory_space<vmem>>, vector<1x1024xf32>,
    %get3A_42 = arith.constant 0 : index
    %get3A_43 = arith.constant 0 : index
    %get3A_44 = vector.load %arg8[%get3A_42, %get3A_43] : memref<1x1xf32, #tpu.memory_space<vmem>>, vector<1x1xf32>
    %reduce_sum3A_45 = arith.constant dense<0.000000e+00> : vector<1xf32>
    %reduce_sum3A_46 = vector.multi_reduction <add>, %broadcast_in_dim3A_16, %reduce_sum3A_45 [0] : vector<4096x1xf32> to vector<1xf32>
    %broadcast_in_dim3A_47 = vector.shape_cast %reduce_sum3A_46 : vector<1xf32> to vector<1x1xf32>
    %add3A_48 = arith.addf %get3A_44, %broadcast_in_dim3A_47 : vector<1x1xf32>
    %swap3A_49 = arith.constant 0 : index
    %swap3A_50 = arith.constant 0 : index
    %swap3A_51 = vector.load %arg8[%swap3A_49, %swap3A_50] : memref<1x1xf32, #tpu.memory_space<vmem>>, vector<1x1xf32>
    tpu.vector_store %arg8[%swap3A_49, %swap3A_50], %add3A_48 {strides = array<i32>} : memref<1x1xf32, #tpu.memory_space<vmem>>, vector<1x1xf32>,
    %eq3A_52 = arith.constant 3 : i32
    %eq3A_53 = arith.cmpi eq, %arg0, %eq3A_52 : i32
    %convert_element_type3A_54 = arith.extui %eq3A_53 : i1 to i32
    %cond3A_55 = arith.constant 0 : i32
    %cond3A_56 = arith.cmpi ne, %convert_element_type3A_54, %cond3A_55 : i32
    scf.if %cond3A_56 {
      %get3A_57 = arith.constant 0 : index
      %get3A_58 = arith.constant 0 : index
      %get3A_59 = vector.load %arg7[%get3A_57, %get3A_58] : memref<1x1024xf32, #tpu.memory_space<vmem>>, vector<1x1024xf32>
      %mul3A_60 = arith.constant 6.10351563E-5 : f32
      %mul3A_61 = vector.broadcast %mul3A_60 : f32 to vector<1x1024xf32>
      %mul3A_62 = arith.mulf %get3A_59, %mul3A_61 : vector<1x1024xf32>
      %gt3A = arith.constant 0.000000e+00 : f32
      %gt3A_63 = vector.broadcast %gt3A : f32 to vector<1x1024xf32>
      %gt3A_64 = arith.cmpf ogt, %mul3A_62, %gt3A_63 : vector<1x1024xf32>
      %jit3A_65 = arith.constant 1.000000e+00 : f32
      %broadcast_in_dim3A_66 = vector.broadcast %jit3A_65 : f32 to vector<1x1024xf32>
      %select_n3A_67 = arith.select %gt3A_64, %mul3A_62, %broadcast_in_dim3A_66 : vector<1x1024xi1>, vector<1x1024xf32>
      %gt3A_68 = arith.constant 0.000000e+00 : f32
      %gt3A_69 = vector.broadcast %gt3A_68 : f32 to vector<1x1024xf32>
      %gt3A_70 = arith.cmpf ogt, %mul3A_62, %gt3A_69 : vector<1x1024xf32>
      %log3A = math.log %select_n3A_67 : vector<1x1024xf32>
      %mul3A_71 = arith.mulf %mul3A_62, %log3A : vector<1x1024xf32>
      %jit3A_72 = arith.constant 0.000000e+00 : f32
      %broadcast_in_dim3A_73 = vector.broadcast %jit3A_72 : f32 to vector<1x1024xf32>
      %select_n3A_74 = arith.select %gt3A_70, %mul3A_71, %broadcast_in_dim3A_73 : vector<1x1024xi1>, vector<1x1024xf32>
      %reduce_sum3A_75 = arith.constant dense<0.000000e+00> : vector<1xf32>
      %reduce_sum3A_76 = vector.multi_reduction <add>, %select_n3A_74, %reduce_sum3A_75 [1] : vector<1x1024xf32> to vector<1xf32>
      %broadcast_in_dim3A_77 = vector.shape_cast %reduce_sum3A_76 : vector<1xf32> to vector<1x1xf32>
      %neg3A = arith.constant 0.000000e+00 : f32
      %neg3A_78 = vector.broadcast %neg3A : f32 to vector<1x1xf32>
      %neg3A_79 = arith.subf %neg3A_78, %broadcast_in_dim3A_77 : vector<1x1xf32>
      %exp3A = math.exp %neg3A_79 : vector<1x1xf32>
      %swap3A_80 = arith.constant 0 : index
      %swap3A_81 = arith.constant 0 : index
      %swap3A_82 = vector.load %arg6[%swap3A_80, %swap3A_81] : memref<1x1xf32, #tpu.memory_space<vmem>>, vector<1x1xf32>
      tpu.vector_store %arg6[%swap3A_80, %swap3A_81], %exp3A {strides = array<i32>} : memref<1x1xf32, #tpu.memory_space<vmem>>, vector<1x1xf32>,
      %get3A_83 = arith.constant 0 : index
      %get3A_84 = arith.constant 0 : index
      %get3A_85 = vector.load %arg8[%get3A_83, %get3A_84] : memref<1x1xf32, #tpu.memory_space<vmem>>, vector<1x1xf32>
      %mul3A_86 = arith.constant 1.1920929E-6 : f32
      %mul3A_87 = vector.broadcast %mul3A_86 : f32 to vector<1x1xf32>
      %mul3A_88 = arith.mulf %mul3A_87, %get3A_85 : vector<1x1xf32>
      %swap3A_89 = arith.constant 0 : index
      %swap3A_90 = arith.constant 0 : index
      %swap3A_91 = vector.load %arg5[%swap3A_89, %swap3A_90] : memref<1x1xf32, #tpu.memory_space<vmem>>, vector<1x1xf32>
      tpu.vector_store %arg5[%swap3A_89, %swap3A_90], %mul3A_88 {strides = array<i32>} : memref<1x1xf32, #tpu.memory_space<vmem>>, vector<1x1xf32>,
    } else {
    }
    return
  }
  func.func @transform_0(%arg0: i32) -> (i32, i32) {
    %c0_i32 = arith.constant 0 : i32
    %c0_i32_0 = arith.constant 0 : i32
    return %arg0, %c0_i32 : i32, i32
  }
  func.func @transform_1(%arg0: i32) -> (i32, i32) {
    %c0_i32 = arith.constant 0 : i32
    %c0_i32_0 = arith.constant 0 : i32
    %c0_i32_1 = arith.constant 0 : i32
    return %c0_i32, %c0_i32_0 : i32, i32
  }
  func.func @transform_2(%arg0: i32) -> (i32, i32) {
    %c0_i32 = arith.constant 0 : i32
    %c0_i32_0 = arith.constant 0 : i32
    %c0_i32_1 = arith.constant 0 : i32
    return %c0_i32, %c0_i32_0 : i32, i32
  }
  func.func @transform_3(%arg0: i32) -> (i32, i32) {
    %c0_i32 = arith.constant 0 : i32
    %c0_i32_0 = arith.constant 0 : i32
    return %arg0, %c0_i32 : i32, i32
  }
  func.func @transform_4(%arg0: i32) -> (i32, i32) {
    %c0_i32 = arith.constant 0 : i32
    %c0_i32_0 = arith.constant 0 : i32
    %c0_i32_1 = arith.constant 0 : i32
    return %c0_i32, %c0_i32_0 : i32, i32
  }
  func.func @transform_5(%arg0: i32) -> (i32, i32) {
    %c0_i32 = arith.constant 0 : i32
    %c0_i32_0 = arith.constant 0 : i32
    %c0_i32_1 = arith.constant 0 : i32
    return %c0_i32, %c0_i32_0 : i32, i32
  }
}

</mosaic_0001>

<sc_bundles>
// kernel: kernel.4.cloned.1.call-start
scs
__scs_entry_jumppad:
0x0: {  	(pc) =	sbr.rel $0x88, $3  }
0x1: {  	(tag) =	ssettag $0x0;
	lr =	simm.s32 $0x1  }
0x2: {  	[smem:$0x3F9F] =	sst lr;
	_ =	strace $0xD0000000  }
0x3: {  	_ = 	snop  }
0x4: {  	_ = 	snop  }
0x5: {  	_ = 	snop  }
0x6: {  	_ = 	snop  }
0x7: {  	_ = 	snop  }
__scs_overlays_trampoline_lowered:
0x8: {  	[smem:$0x3FAE] =	sst s0  }
0x9: {  	[smem:$0x3FAF] =	sst s1  }
0xa: {  	[smem:$0x3FB0] =	sst s2  }
0xb: {  	[smem:$0x3FB1] =	sst s3  }
0xc: {  	[smem:$0x3FB2] =	sst s4  }
0xd: {  	[smem:$0x3FB3] =	sst s5  }
0xe: {  	[smem:$0x3FB4] =	sst s6  }
0xf: {  	[smem:$0x3FB5] =	sst s7  }
0x10: {  	[smem:$0x3FB6] =	sst s8  }
0x11: {  	[smem:$0x3FB7] =	sst s9;
	s0 =	simm.s32 @!p0 $0x0  }
0x12: {  	s1 =	sld [smem:$0x3F9D];
	s0 =	simm.s32 @p0 $0x1  }
0x13: {  	[smem:$0x3FB8] =	sst s0;
	s0 =	simm.s32 @!p1 $0x0  }
0x14: {  	s2 =	sld [smem:$0x3F9C];
	s0 =	simm.s32 @p1 $0x1  }
0x15: {  	[smem:$0x3FB9] =	sst s0;
	s0 =	simm.s32 @!p2 $0x0  }
0x16: {  	s3 =	sld [smem:$0x3FDB];
	s0 =	simm.s32 @p2 $0x1  }
0x17: {  	s4 =	simm.s32 $0x1BF5;
	[smem:$0x3FBB] =	sst s0  }
0x18: {  	s0 =	sld [smem:$0x3F9E];
	_ =	swait.ge [sflag:s4], $0x0  }
0x19: {  	s7 =	sld [smem:$0x3F9F]  }
0x1a: {  	s8 =	sadd.s32 $0xFFFFE003, lr  }
0x1b: {  	s9 =	sadd.s32 $0xFFFFFEF7, lr;
	s5 =	simm.s32 $0xFFFFFFFF;
	p2 =	slt.u32 s8, $0xFFFFF086  }
0x1c: {  	p1 =	slt.u32 s9, $0xF7A;
	s5 =	simm.s32 @!p2 $0x0  }
0x1d: {  	s5 =	simm.s32 @p1 $0x1;
	p0 =	seq.s32 s7, s2  }
0x1e: {  	s7 =	smul.u32 @!p0 $0xF7A, s2;
	p2 =	seq.s32 @!p0 s5, $0x0  }
0x1f: {  	s9 =	smul.u32 $0xF7A, s1;
	s8 =	simm.s32 @!p0 $0x1BF5;
	p2 =	por !p2, p0  }
0x20: {  	[sflag:s8] =	ssyncset.s32 @!p0 $0xFFFFF086;
	s6 =	sadd.s32 @!p0 s3, s7;
	s7 =	simm.s32 @!p0 $0x108  }
0x21: {  	s3 =	sadd.s32 s3, s9;
	s6 =	sadd.s32 @!p0 $0x88, s6;
	s7 =	simm.s32 @p2 $0x1082  }
0x22: {  	[simem:s7], [sflag:s8] =	dma.local @!p0 [hbm:s6], $0xF7A  }
0x23: {  	s9 =	sor.u32 $0xD0000000, s2;
	s6 =	simm.s32 $0x108;
	_ =	swait.ge @!p0 [sflag:s8], $0x0  }
0x24: {  	s3 =	sadd.s32 $0x88, s3;
	s6 =	simm.s32 @!p1 $0x1082;
	[sflag:s4] =	ssyncset.s32 $0xFFFFF086  }
0x25: {  	[simem:s6], [sflag:s4] =	dma.local [hbm:s3], $0xF7A  }
0x26: {  	[smem:$0x3F9F] =	sst s1;
	(tag) =	ssettag s2;
	_ =	strace s9  }
0x27: {  	s1 =	sld [smem:$0x3FAF]  }
0x28: {  	s2 =	sld [smem:$0x3FB0]  }
0x29: {  	s4 =	sld [smem:$0x3FB2]  }
0x2a: {  	p0 =	seq.s32 s5, $0x0;
	s5 =	sld [smem:$0x3FB3]  }
0x2b: {  	s6 =	sld [smem:$0x3FB4]  }
0x2c: {  	s7 =	sld [smem:$0x3FB5]  }
0x2d: {  	s3 =	simm.s32 $0x108;
	s8 =	sld [smem:$0x3FB6]  }
0x2e: {  	s3 =	simm.s32 @!p0 $0x1082;
	s9 =	sld [smem:$0x3FB7]  }
0x2f: {  	lr =	sadd.s32 s0, s3;
	s0 =	sld [smem:$0x3FAE]  }
0x30: {  	s3 =	sld [smem:$0x3FB1]  }
0x31: {  	[smem:$0x3FBA] =	sst s10  }
0x32: {  	s10 =	sld [smem:$0x3FB8];
	_ =	sdelay $0x3  }
0x33: {  	p0 =	seq.s32 s10, $0x1;
	s10 =	sld [smem:$0x3FBA];
	_ =	sdelay $0x3  }
0x34: {  	[smem:$0x3FBA] =	sst s10  }
0x35: {  	s10 =	sld [smem:$0x3FB9];
	_ =	sdelay $0x3  }
0x36: {  	p1 =	seq.s32 s10, $0x1;
	s10 =	sld [smem:$0x3FBA];
	_ =	sdelay $0x3  }
0x37: {  	[smem:$0x3FBA] =	sst s10  }
0x38: {  	s10 =	sld [smem:$0x3FBB]  }
0x39: {  	_ = 	snop;
	(pc) =	sbr.ind lr, $3  }
0x3a: {  	_ = 	snop  }
0x3b: {  	_ = 	snop  }
0x3c: {  	p2 =	seq.s32 s10, $0x1;
	s10 =	sld [smem:$0x3FBA]  }
0x3d: {  	_ =	shalt  }
0x3e: {  	_ =	shalt  }
0x3f: {  	_ =	shalt  }
0x40: {  	_ =	shalt  }
0x41: {  	_ =	shalt  }
0x42: {  	_ =	shalt  }
0x43: {  	_ =	shalt  }
0x44: {  	_ =	shalt  }
0x45: {  	_ =	shalt  }
0x46: {  	_ =	shalt  }
0x47: {  	_ =	shalt  }
0x48: {  	_ =	shalt  }
0x49: {  	_ =	shalt  }
0x4a: {  	_ =	shalt  }
0x4b: {  	_ =	shalt  }
0x4c: {  	_ =	shalt  }
0x4d: {  	_ =	shalt  }
0x4e: {  	_ =	shalt  }
0x4f: {  	_ =	shalt  }
0x50: {  	_ =	shalt  }
0x51: {  	_ =	shalt  }
0x52: {  	_ =	shalt  }
0x53: {  	_ =	shalt  }
0x54: {  	_ =	shalt  }
0x55: {  	_ =	shalt  }
0x56: {  	_ =	shalt  }
0x57: {  	_ =	shalt  }
0x58: {  	_ =	shalt  }
0x59: {  	_ =	shalt  }
0x5a: {  	_ =	shalt  }
0x5b: {  	_ =	shalt  }
0x5c: {  	_ =	shalt  }
0x5d: {  	_ =	shalt  }
0x5e: {  	_ =	shalt  }
0x5f: {  	_ =	shalt  }
0x60: {  	_ =	shalt  }
0x61: {  	_ =	shalt  }
0x62: {  	_ =	shalt  }
0x63: {  	_ =	shalt  }
0x64: {  	_ =	shalt  }
0x65: {  	_ =	shalt  }
0x66: {  	_ =	shalt  }
0x67: {  	_ =	shalt  }
0x68: {  	_ =	shalt  }
0x69: {  	_ =	shalt  }
0x6a: {  	_ =	shalt  }
0x6b: {  	_ =	shalt  }
0x6c: {  	_ =	shalt  }
0x6d: {  	_ =	shalt  }
0x6e: {  	_ =	shalt  }
0x6f: {  	_ =	shalt  }
0x70: {  	_ =	shalt  }
0x71: {  	_ =	shalt  }
0x72: {  	_ =	shalt  }
0x73: {  	_ =	shalt  }
0x74: {  	_ =	shalt  }
0x75: {  	_ =	shalt  }
0x76: {  	_ =	shalt  }
0x77: {  	_ =	shalt  }
0x78: {  	_ =	shalt  }
0x79: {  	_ =	shalt  }
0x7a: {  	_ =	shalt  }
0x7b: {  	_ =	shalt  }
0x7c: {  	_ =	shalt  }
0x7d: {  	_ =	shalt  }
0x7e: {  	_ =	shalt  }
0x7f: {  	_ =	shalt  }
0x80: {  	_ =	shalt  }
0x81: {  	_ =	shalt  }
0x82: {  	_ =	shalt  }
0x83: {  	_ =	shalt  }
0x84: {  	_ =	shalt  }
0x85: {  	_ =	shalt  }
0x86: {  	_ =	shalt  }
0x87: {  	_ =	shalt  }
.Lfunc_end0:
.L_simem_size_0:
called_computation_lowered:
.L_overlay_start_0:
0x88: {  	s2 =	sld [smem:$0x3FD9]  }
0x89: {  	s3 =	sld [smem:$0x3FFE];
	_ =	sdelay $0x1  }
0x8a: {  	s1 =	srdreg.scid  }
0x8b: {  	s0 =	sand.u32 $0x1, s1  }
0x8c: {  	s14 =	sshll.u32 s0, $0xA;
	s2 =	sadd.s32 s3, s2  }
0x8d: {  	s2 =	sadd.s32 s2, s14  }
0x8e: {  	[smem:$0x3FC6] =	sst s2  }
0x8f: {  	_ = 	snop  }
0x90: {  	s2 =	sld [smem:$0x3FD0];
	_ =	sdelay $0x2  }
0x91: {  	s15 =	simm.s32 $0xA;
	s4 =	simm.s32 $0x10  }
0x92: {  	[smem:s4], [sflag:s15] =	dma.local [hbm:s2], $0x1  }
0x93: {  	_ =	swait.eq [sflag:s15], $0x1  }
0x94: {  	[sflag:s15] =	ssyncset.done $0x0  }
0x95: {  	s16 =	sld [smem:$0x10];
	[sflag:s15] =	ssyncadd.s32 $0xFFFFFFFF  }
0x96: {  	s17 =	sld [smem:$0x14];
	(tm) =	ssettm $0x1  }
0x97: {  	s18 =	sld [smem:$0x3FFB];
	_ =	sdelay $0x3  }
0x98: {  	_ =	strace s18  }
0x99: {  	s4 =	sld [smem:$0x3FFC];
	_ =	sdelay $0x3  }
0x9a: {  	_ =	strace s4  }
0x9b: {  	s4 =	sld [smem:$0x3FFD];
	_ =	sdelay $0x3  }
0x9c: {  	_ =	strace s4  }
0x9d: {  	_ =	strace $0x8FFFFFFF  }
0x9e: {  	s19 =	sld [smem:$0x3FDB];
	_ =	sdelay $0x1  }
0x9f: {  	s5 =	simm.s32 $_scs_section_size  }
0xa0: {  	s6 =	simm.s32 $_size__tile_overlayer_lowered;
	s7 =	simm.s32 $_tile_overlayer_lowered  }
0xa1: {  	s22 =	simm.s32 $0x1BFF;
	s21 =	sshll.u32 s7, $0x1;
	s4 =	sadd.s32 s5, s19  }
0xa2: {  	s8 =	simm.s32 $0x0;
	s20 =	sshll.u32 s6, $0x1;
	s6 =	sadd.s32 s21, s4  }
0xa3: {  	[timem:s8], [sflag:s22] =	dma.local [hbm:s6], s20  }
0xa4: {  	_ =	swait.ge [sflag:s22], s20  }
0xa5: {  	s5 =	ssub.s32 $0x0, s20;
	[sflag:s22] =	ssyncset.done $0x0  }
0xa6: {  	[sflag:s22] =	ssyncadd.s32 s5;
	_ =	sdelay $0x1  }
0xa7: {  	s23 =	simm.s32 $0x1B8B  }
0xa8: {  	_ =	swait.ge [sflag:s23], $0x1  }
0xa9: {  	[sflag:s23] =	ssyncset.done $0x0  }
0xaa: {  	s25 =	simm.s32 $0x1B8E;
	s24 =	sld [smem:$0x3FFE];
	[sflag:s23] =	ssyncadd.s32 $0xFFFFFFFF  }
0xab: {  	s26 =	simm.s32 $execute0_lowered;
	[smem:$0x3FD2] =	sst s25  }
0xac: {  	s6 =	sshll.u32 s26, $0x1;
	_ =	strace $0x80000046;
	[dreg:$0x1] =	wrdreg $0xFFFFFFFF  }
0xad: {  	s28 =	simm.s32 $_size_execute0_lowered;
	s4 =	sadd.s32 s4, s6;
	[dreg:$0x0] =	wrdreg $0x0  }
0xae: {  	s6 =	sshll.u32 s28, $0x1;
	[dreg:$0x2] =	wrdreg s4  }
0xaf: {  	[dreg:$0x3] =	wrdreg s6  }
0xb0: {  	[dreg:$0x4] =	wrdreg $0xC0  }
0xb1: {  	_ =	task [dreg:s8], $0x5FFFF  }
0xb2: {  	[dreg:$0x1] =	wrdreg $0xFFFFFFFF  }
0xb3: {  	[dreg:$0x0] =	wrdreg $0x60  }
0xb4: {  	[dreg:$0x2] =	wrdreg s24  }
0xb5: {  	[dreg:$0x3] =	wrdreg s17  }
0xb6: {  	[dreg:$0x4] =	wrdreg s16  }
0xb7: {  	[dreg:$0x5] =	wrdreg $0x9  }
0xb8: {  	_ =	task.clear_ibuf [dreg:s8], $0x6FFFF;
	_ =	strace $0x90000046  }
0xb9: {  	s29 =	simm.s32 $0x9;
	_ =	strace $0x80000048  }
0xba: {  	_ =	swait.ge [sflag:s29], $0x1  }
0xbb: {  	[sflag:s29] =	ssyncadd.s32 $0xFFFFFFFF  }
0xbc: {  	_ =	strace $0x90000048  }
0xbd: {  	_ =	sfence  }
0xbe: {  	s30 =	sld [smem:$0x0];
	_ =	sdelay $0x2  }
0xbf: {  	s31 =	sshll.u32 s1, $0xD;
	s1 =	sshrl.u32 s1, $0x2  }
0xc0: {  	s3 =	sand.u32 $0x4000, s31;
	s1 =	sadd.s32 s1, s30  }
0xc1: {  	s0 =	sor.u32 s3, s0;
	s1 =	sshll.u32 s1, $0x11  }
0xc2: {  	s0 =	sor.u32 s1, s0  }
0xc3: {  	s0 =	sadd.s32 $0x8F2B, s0  }
0xc4: {  	[sflag:s0] =	ssyncadd.remote.s32 $0x1  }
0xc5: {  	_ =	sfence.sel $0xFFFF  }
0xc6: {  	[dreg:$0x0] =	wrdreg $0xFFFFFFFF;
	(pc) =	sbr.abs _section_cstart, $3  }
0xc7: {  	[dreg:$0x1] =	wrdreg $0xFFFFFFFF  }
0xc8: {  	_ =	task.clear_ibuf [dreg:s8], $0x2FFFF;
	_ =	strace $0x9FFFFFFF  }
0xc9: {  	(tm) =	ssettm $0x7FFFFFFF  }
tec
execute0_lowered:
.L_overlay_start_1:
0x0: {  	(tag) =	ssettag $0x1  }
0x1: {  	s1 =	rddreg [dreg:$0x0];
	s2 =	srdreg.scid  }
0x2: {  	s4 =	rddreg [dreg:$0x1];
	s0 =	stileid.u32;
	s19 =	sand.u32 $0x1, s2  }
0x3: {  	s14 =	rddreg [dreg:$0x2];
	s5 =	sshll.u32 s0, $0xA;
	s6 =	sshll.u32 s19, $0x9  }
0x4: {  	s3 =	simm.s32 $0x0;
	s2 =	rddreg [dreg:$0x3];
	s15 =	sor.u32 s6, s5  }
0x5: {  	[smem:$0x7FF] =	sst s3;
	s5 =	sshrl.u32 s15, $0x3  }
0x6: {  	_ =	strace $0x80000047;
	s4 =	sadd.s32 s4, s5;
	s5 =	simm.s32 $0x3  }
0x7: {  	[tilespmem:s3], [sflag:$0x3] =	stream.linear.gather [hbm4b:s4+s3], $0x200, $0x38;
	[tilespmem:$0x10200] =	vst v63  }
0x8: {  	_ =	swait.ge [sflag:s5], $0x200  }
0x9: {  	[sflag:s5] =	ssyncset.done $0x0  }
0xa: {  	s7 =	simm.s32 $0x200;
	s6 =	simm.s32 $0x80;
	[sflag:s5] =	ssyncadd.s32 $0xFFFFFE00  }
0xb: {  	[tilespmem:s7], [sflag:$0x1] =	stream.indirect.gather [hbm4b:s1+s6], $0x80, s3, s6, $0xb8;
	[tilespmem:$0x10200] =	vst v63  }
0xc: {  	s8 =	simm.s32 $0x4200  }
0xd: {  	[tilespmem:s8], [sflag:$0x1] =	stream.indirect.gather [hbm4b:s1+s6], $0x80, s6, s6, $0xb8;
	[tilespmem:$0x10200] =	vst v63  }
0xe: {  	s9 =	simm.s32 $0x100;
	s10 =	simm.s32 $0x8200  }
0xf: {  	[tilespmem:s10], [sflag:$0x1] =	stream.indirect.gather [hbm4b:s1+s6], $0x80, s9, s6, $0xb8;
	[tilespmem:$0x10200] =	vst v63  }
0x10: {  	s11 =	simm.s32 $0x180;
	s12 =	simm.s32 $0xC200;
	s13 =	simm.s32 $0x1  }
0x11: {  	[tilespmem:s12], [sflag:$0x1] =	stream.indirect.gather [hbm4b:s1+s6], $0x80, s11, s6, $0xb8;
	[tilespmem:$0x10200] =	vst v63  }
0x12: {  	_ =	swait.ge [sflag:s13], $0x4000  }
0x13: {  	s15 =	sshll.u32 s15, $0x4;
	[sflag:s13] =	ssyncset.done $0x0  }
0x14: {  	s14 =	sadd.s32 s14, s15;
	[sflag:s13] =	ssyncadd.s32 $0xFFFFC000  }
0x15: {  	[hbm4b:s14+s3] =	stream.linear.scatter [tilespmem:s7], [sflag:$0x2], $0x4000, $0x38;
	[tilespmem:$0x10200] =	vst v63  }
0x16: {  	_ =	swait.ge [sflag:s13], $0x4000  }
0x17: {  	[sflag:s13] =	ssyncset.done $0x0  }
0x18: {  	s15 =	sadd.s32 $0x800, s14;
	[sflag:s13] =	ssyncadd.s32 $0xFFFFC000  }
0x19: {  	[hbm4b:s15+s3] =	stream.linear.scatter [tilespmem:s8], [sflag:$0x2], $0x4000, $0x38;
	[tilespmem:$0x10200] =	vst v63  }
0x1a: {  	_ =	swait.ge [sflag:s13], $0x4000  }
0x1b: {  	[sflag:s13] =	ssyncset.done $0x0  }
0x1c: {  	s16 =	sadd.s32 $0x1000, s14;
	[sflag:s13] =	ssyncadd.s32 $0xFFFFC000  }
0x1d: {  	[hbm4b:s16+s3] =	stream.linear.scatter [tilespmem:s10], [sflag:$0x2], $0x4000, $0x38;
	[tilespmem:$0x10200] =	vst v63  }
0x1e: {  	_ =	swait.ge [sflag:s13], $0x4000  }
0x1f: {  	[sflag:s13] =	ssyncset.done $0x0  }
0x20: {  	s17 =	simm.s32 $0x2;
	s18 =	sadd.s32 $0x1800, s14;
	[sflag:s13] =	ssyncadd.s32 $0xFFFFC000  }
0x21: {  	[hbm4b:s18+s3] =	stream.linear.scatter [tilespmem:s12], [sflag:$0x2], $0x4000, $0x38;
	[tilespmem:$0x10200] =	vst v63  }
0x22: {  	_ =	swait.ge [sflag:s17], $0x4000  }
0x23: {  	s19 =	ssub.s32 $0x2, s19;
	[sflag:s17] =	ssyncset.done $0x0  }
0x24: {  	s20 =	sshrl.u32 s19, $0x1;
	[sflag:s17] =	ssyncadd.s32 $0xFFFFC000  }
0x25: {  	s19 =	ssub.s32 s19, s20;
	_ =	swait.ge [sflag:s17], $0x4000  }
0x26: {  	s19 =	smax.u32 s19, $0x1;
	[sflag:s17] =	ssyncset.done $0x0  }
0x27: {  	p0 =	sne.s32 s19, $0x1;
	[sflag:s17] =	ssyncadd.s32 $0xFFFFC000  }
.Ltmp0:
0x28: {  	_ =	swait.ge [sflag:s17], $0x4000;
	(pc) =	sbr.rel @!p0 .LBB2_2-.Ltmp0, $4  }
0x29: {  	[sflag:s17] =	ssyncset.done $0x0  }
0x2a: {  	[sflag:s17] =	ssyncadd.s32 $0xFFFFC000  }
0x2b: {  	_ =	swait.ge [sflag:s17], $0x4000  }
0x2c: {  	s19 =	sadd.s32 $0xFFFFFFFF, s19;
	[sflag:s17] =	ssyncset.done $0x0  }
.LBB2_1:
0x2d: {  	p0 =	sne.s32 s19, $0x1;
	s19 =	sadd.s32 $0xFFFFFFFF, s19;
	[sflag:s17] =	ssyncadd.s32 $0xFFFFC000  }
0x2e: {  	[tilespmem:s3], [sflag:$0x3] =	stream.linear.gather [hbm4b:s4+s3], $0x200, $0x38;
	[tilespmem:$0x10200] =	vst v63  }
0x2f: {  	_ =	swait.ge [sflag:s5], $0x200  }
0x30: {  	[sflag:s5] =	ssyncset.done $0x0  }
0x31: {  	[sflag:s5] =	ssyncadd.s32 $0xFFFFFE00  }
0x32: {  	[tilespmem:s7], [sflag:$0x1] =	stream.indirect.gather [hbm4b:s1+s6], $0x80, s3, s6, $0xb8;
	[tilespmem:$0x10200] =	vst v63  }
0x33: {  	_ = 	snop  }
0x34: {  	[tilespmem:s8], [sflag:$0x1] =	stream.indirect.gather [hbm4b:s1+s6], $0x80, s6, s6, $0xb8;
	[tilespmem:$0x10200] =	vst v63  }
0x35: {  	_ = 	snop  }
0x36: {  	[tilespmem:s10], [sflag:$0x1] =	stream.indirect.gather [hbm4b:s1+s6], $0x80, s9, s6, $0xb8;
	[tilespmem:$0x10200] =	vst v63  }
0x37: {  	_ = 	snop  }
0x38: {  	[tilespmem:s12], [sflag:$0x1] =	stream.indirect.gather [hbm4b:s1+s6], $0x80, s11, s6, $0xb8;
	[tilespmem:$0x10200] =	vst v63  }
0x39: {  	_ =	swait.ge [sflag:s13], $0x4000  }
0x3a: {  	[sflag:s13] =	ssyncset.done $0x0  }
0x3b: {  	[sflag:s13] =	ssyncadd.s32 $0xFFFFC000  }
0x3c: {  	[hbm4b:s14+s3] =	stream.linear.scatter [tilespmem:s7], [sflag:$0x2], $0x4000, $0x38;
	[tilespmem:$0x10200] =	vst v63  }
0x3d: {  	_ =	swait.ge [sflag:s13], $0x4000  }
0x3e: {  	[sflag:s13] =	ssyncset.done $0x0  }
0x3f: {  	[sflag:s13] =	ssyncadd.s32 $0xFFFFC000  }
0x40: {  	[hbm4b:s15+s3] =	stream.linear.scatter [tilespmem:s8], [sflag:$0x2], $0x4000, $0x38;
	[tilespmem:$0x10200] =	vst v63  }
0x41: {  	_ =	swait.ge [sflag:s13], $0x4000  }
0x42: {  	[sflag:s13] =	ssyncset.done $0x0  }
0x43: {  	[sflag:s13] =	ssyncadd.s32 $0xFFFFC000  }
0x44: {  	[hbm4b:s16+s3] =	stream.linear.scatter [tilespmem:s10], [sflag:$0x2], $0x4000, $0x38;
	[tilespmem:$0x10200] =	vst v63  }
0x45: {  	_ =	swait.ge [sflag:s13], $0x4000  }
0x46: {  	[sflag:s13] =	ssyncset.done $0x0  }
0x47: {  	[sflag:s13] =	ssyncadd.s32 $0xFFFFC000  }
0x48: {  	[hbm4b:s18+s3] =	stream.linear.scatter [tilespmem:s12], [sflag:$0x2], $0x4000, $0x38;
	[tilespmem:$0x10200] =	vst v63  }
0x49: {  	_ =	swait.ge [sflag:s17], $0x4000  }
0x4a: {  	[sflag:s17] =	ssyncset.done $0x0  }
0x4b: {  	[sflag:s17] =	ssyncadd.s32 $0xFFFFC000  }
0x4c: {  	_ =	swait.ge [sflag:s17], $0x4000  }
0x4d: {  	[sflag:s17] =	ssyncset.done $0x0  }
0x4e: {  	[sflag:s17] =	ssyncadd.s32 $0xFFFFC000  }
.Ltmp1:
0x4f: {  	_ =	swait.ge [sflag:s17], $0x4000;
	(pc) =	sbr.rel @p0 .LBB2_1-.Ltmp1, $4  }
0x50: {  	[sflag:s17] =	ssyncset.done $0x0  }
0x51: {  	[sflag:s17] =	ssyncadd.s32 $0xFFFFC000  }
0x52: {  	_ =	swait.ge [sflag:s17], $0x4000  }
0x53: {  	[sflag:s17] =	ssyncset.done $0x0  }
.LBB2_2:
0x54: {  	[sflag:s17] =	ssyncadd.s32 $0xFFFFC000  }
0x55: {  	_ =	sfence.sel $0x180000  }
0x56: {  	[bflag:$0x0] =	sbarrier.arrive $0xFFFF  }
0x57: {  	p0 =	sne.s32 s0, $0x0;
	_ =	strace $0x90000047  }
0x58: {  	s0 =	sadd.s32 @!p0 $0x100000, s2;
	[bflag:$0x2] =	sbarrier.arrive $0xFFFF  }
0x59: {  	[sflag:s0] =	ssyncadd.tile.s32 @!p0 $0x1;
	_ =	shalt  }
.Lfunc_end2:
_tile_overlayer_lowered:
.L_overlay_start_2:
0x5a: {  	(tag) =	ssettag $0x2  }
0x5b: {  	s0 =	rddreg [dreg:$0x0];
	s2 =	stileid.u32  }
0x5c: {  	s1 =	rddreg [dreg:$0x1];
	p0 =	sne.s32 s2, $0x0  }
0x5d: {  	s3 =	rddreg [dreg:$0x2];
	[bflag:$0x3] =	sbarrier.arrive $0xFFFF;
	s2 =	simm.s32 @!p0 $0x1C03  }
0x5e: {  	[timem:s3], [sflag:s2] =	dma.local @!p0 [hbm:s0], s1  }
0x5f: {  	s0 =	simm.s32 @!p0 $0x3  }
0x60: {  	_ =	swait.ge @!p0 [sflag:s0], s1  }
0x61: {  	s1 =	ssub.s32 @!p0 $0x0, s1;
	[sflag:s0] =	ssyncset.done @!p0 $0x0  }
0x62: {  	[sflag:s0] =	ssyncadd.s32 @!p0 s1  }
0x63: {  	[bflag:$0x3] =	sbarrier.arrive $0xFFFF  }
0x64: {  	_ =	shalt  }

</sc_bundles>
